<compile_context>
chip_gen: v7x
topology: tpu7x:2x2x1
jax: 0.10.2.dev20260603
libtpu: 0.0.44.dev20260713+nightly
codegen_flags: <defaults>
</compile_context>

<pallas_src>
import functools

import jax
import jax.numpy as jnp
from jax import lax
from jax.experimental import pallas as pl
from jax.experimental.pallas import tpu as pltpu
from jax.experimental.pallas import tpu_sc as plsc

B = 16384
D = 128
V = 100
P = 50

NC, NS = 2, 16
NW = NC * NS

B_SC = 8192
BPW = B_SC // NW

BLK = 2048
NB = B // BLK
NSCB = B_SC // BLK


@functools.cache
def _make_sc_gather():
    mesh = plsc.VectorSubcoreMesh(core_axis_name="c", subcore_axis_name="s",
                                  num_cores=NC, num_subcores=NS)

    @functools.partial(
        pl.kernel,
        out_type=jax.ShapeDtypeStruct((B_SC, D), jnp.float32),
        mesh=mesh,
        scratch_types=[
            pltpu.VMEM((BPW,), jnp.int32),
            pltpu.VMEM((BPW, D), jnp.float32),
            pltpu.SemaphoreType.DMA,
        ],
    )
    def _sc_gather(table_hbm, idx_hbm, out_hbm, idx_v, rows_v, sem):
        wid = lax.axis_index("s") * NC + lax.axis_index("c")
        base = wid * BPW
        pltpu.sync_copy(idx_hbm.at[pl.ds(base, BPW)], idx_v)
        pltpu.async_copy(table_hbm.at[idx_v], rows_v, sem).wait()
        pltpu.sync_copy(rows_v, out_hbm.at[pl.ds(base, BPW)])

    return _sc_gather


def _fuse_into_scratch(i, wproj_ref, wprop_ref, bprop_ref, bproj_ref, wf_ref,
                       bias_ref):
    @pl.when(i == 0)
    def _():
        wbot = wproj_ref[D:, :]
        wf_ref[...] = wprop_ref[...] @ wbot
        bias_ref[...] = bprop_ref[...] @ wbot + bproj_ref[...]


def _onehot_body(wproj_ref, wprop_ref, bprop_ref, bproj_ref, table_ref,
                 ids_ref, prop_ref, out_ref, wf_ref, bias_ref):
    i = pl.program_id(0)
    _fuse_into_scratch(i, wproj_ref, wprop_ref, bprop_ref, bproj_ref, wf_ref,
                       bias_ref)
    common = prop_ref[...] @ wf_ref[...] + bias_ref[...]
    iota_v = lax.broadcasted_iota(jnp.int32, (V, 1), 0)
    oh_t = (ids_ref[0] == iota_v).astype(jnp.float32)
    g_blk = lax.dot_general(oh_t, table_ref[...],
                            (((0,), (0,)), ((), ())))
    out_ref[...] = g_blk @ wproj_ref[:D, :] + common


def _gathered_body(prev_ref, wproj_ref, wprop_ref, bprop_ref, bproj_ref,
                   g_ref, prop_ref, out_ref, wf_ref, bias_ref):
    del prev_ref
    i = pl.program_id(0)
    _fuse_into_scratch(i, wproj_ref, wprop_ref, bprop_ref, bproj_ref, wf_ref,
                       bias_ref)
    common = prop_ref[...] @ wf_ref[...] + bias_ref[...]
    out_ref[...] = g_ref[...] @ wproj_ref[:D, :] + common


_WSPECS = [
    pl.BlockSpec((2 * D, D), lambda i: (0, 0)),
    pl.BlockSpec((P, D), lambda i: (0, 0)),
    pl.BlockSpec((1, D), lambda i: (0, 0)),
    pl.BlockSpec((1, D), lambda i: (0, 0)),
]
_SCRATCH = [
    pltpu.VMEM((P, D), jnp.float32),
    pltpu.VMEM((1, D), jnp.float32),
]
_OUT_SHAPE = jax.ShapeDtypeStruct((B, D), jnp.float32)


def _combine_onehot(w_proj, w_prop, b_prop, b_proj, table, ids3, prop):
    return pl.pallas_call(
        _onehot_body,
        grid=(NB - NSCB,),
        in_specs=_WSPECS + [
            pl.BlockSpec((V, D), lambda i: (0, 0)),
            pl.BlockSpec((1, 1, BLK), lambda i: (i + NSCB, 0, 0)),
            pl.BlockSpec((BLK, P), lambda i: (i + NSCB, 0)),
        ],
        out_specs=pl.BlockSpec((BLK, D), lambda i: (i + NSCB, 0)),
        out_shape=_OUT_SHAPE,
        scratch_shapes=_SCRATCH,
    )(w_proj, w_prop, b_prop, b_proj, table, ids3, prop)


def _combine_gathered(prev, w_proj, w_prop, b_prop, b_proj, g, prop):
    return pl.pallas_call(
        _gathered_body,
        grid=(NSCB,),
        in_specs=[pl.BlockSpec(memory_space=pl.ANY)] + _WSPECS + [
            pl.BlockSpec((BLK, D), lambda i: (i, 0)),
            pl.BlockSpec((BLK, P), lambda i: (i, 0)),
        ],
        out_specs=pl.BlockSpec((BLK, D), lambda i: (i, 0)),
        out_shape=_OUT_SHAPE,
        input_output_aliases={0: 0},
        scratch_shapes=_SCRATCH,
    )(prev, w_proj, w_prop, b_prop, b_proj, g, prop)


def kernel(event_type_ids, prop_vectors, event_type_table, W_prop, b_prop,
           W_proj, b_proj):
    ids = event_type_ids.astype(jnp.int32)
    g = _make_sc_gather()(event_type_table, ids)
    bprop2 = b_prop.reshape(1, D)
    bproj2 = b_proj.reshape(1, D)
    ids3 = ids.reshape(NB, 1, BLK)
    out = _combine_onehot(W_proj, W_prop, bprop2, bproj2, event_type_table,
                          ids3, prop_vectors)
    return _combine_gathered(out, W_proj, W_prop, bprop2, bproj2, g,
                             prop_vectors)

# --- scband reference (transcript-rebuilt; emitter-appended) ---
"""Pipeline reference for scband-optimized-legal-embedding-84456236908949 (READ-ONLY COPY).

The authoritative reference and input builder live on the scoring server;
editing this copy changes nothing except your own understanding.
"""

import jax, jax.numpy as jnp
import numpy as np

B = 16384
D_MODEL = 128
N_EVENT_TYPES = 100
PROP_DIM = 50


def setup_inputs(seed: int = 0) -> dict:
    key = jax.random.key(seed)
    k1, k2, k3, k4, k5, k6, k7 = jax.random.split(key, 7)
    event_type_ids = jax.random.randint(k1, (B,), 0, N_EVENT_TYPES)
    prop_vectors = jax.random.normal(k2, (B, PROP_DIM), dtype=jnp.float32)
    # learned parameters
    event_type_table = jax.random.normal(k3, (N_EVENT_TYPES, D_MODEL), dtype=jnp.float32) * 0.02
    W_prop = jax.random.normal(k4, (PROP_DIM, D_MODEL), dtype=jnp.float32) * (1.0 / np.sqrt(PROP_DIM))
    b_prop = jnp.zeros((D_MODEL,), dtype=jnp.float32)
    W_proj = jax.random.normal(k5, (2 * D_MODEL, D_MODEL), dtype=jnp.float32) * (1.0 / np.sqrt(2 * D_MODEL))
    b_proj = jnp.zeros((D_MODEL,), dtype=jnp.float32)
    return {
        'event_type_ids': event_type_ids,
        'prop_vectors': prop_vectors,
        'event_type_table': event_type_table,
        'W_prop': W_prop,
        'b_prop': b_prop,
        'W_proj': W_proj,
        'b_proj': b_proj,
    }


def reference(event_type_ids, prop_vectors, event_type_table, W_prop, b_prop, W_proj, b_proj):
    # batched version of embed_event_cached:
    #   type_emb = event_type_embed(event_type_id)          (sparse embedding gather)
    #   prop_emb = property_embed(prop_vector)              (Linear 50 -> d_model)
    #   combined = cat([type_emb, prop_emb], dim=-1)
    #   out      = event_proj(combined)                     (Linear 2*d_model -> d_model)
    type_emb = jnp.take(event_type_table, event_type_ids, axis=0)
    prop_emb = prop_vectors @ W_prop + b_prop
    combined = jnp.concatenate([type_emb, prop_emb], axis=-1)
    out = combined @ W_proj + b_proj
    return out

if __name__ == "__main__":
    import jax
    _d = setup_inputs()
    print(jax.jit(kernel)(*tuple(_d.values())))

</pallas_src>

<mosaic_0001>
#map = affine_map<(d0, d1) -> (0, 0)>
#map1 = affine_map<(d0, d1) -> (0)>
module attributes {stable_mosaic.version = 14 : i64} {
  func.func @_sc_gather(%arg0: i32, %arg1: i32, %arg2: memref<100x128xf32, #tpu.memory_space<hbm>>, %arg3: memref<16384xi32, #tpu.memory_space<hbm>>, %arg4: memref<8192x128xf32, #tpu.memory_space<hbm>>, %arg5: memref<256xi32, #tpu.memory_space<vmem>>, %arg6: memref<256x128xf32, #tpu.memory_space<vmem>>, %arg7: memref<!tpu.dma_semaphore, #tpu.memory_space<semaphore_mem>>) attributes {dimension_semantics = [#tpu.dimension_semantics<core_parallel>, #tpu.dimension_semantics<subcore_parallel>], iteration_bounds = array<i64: 2, 16>, scalar_prefetch = 0 : i64, scratch_operands = 3 : i64, tpu.core_type = #tpu.core_type<sc_vector_subcore>, window_params = [{transform_indices = #map}, {transform_indices = #map1}, {transform_indices = #map}]} {
    %mul3A = arith.constant 2 : i32
    %mul3A_0 = arith.muli %arg1, %mul3A : i32
    %add3A = arith.addi %mul3A_0, %arg0 : i32
    %mul3A_1 = arith.constant 256 : i32
    %mul3A_2 = arith.muli %add3A, %mul3A_1 : i32
    "tpu.region"() ({
      %run_scoped3A = tpu.sem_alloc : memref<!tpu.dma_semaphore, #tpu.memory_space<semaphore_mem>>
      %dma_start3A_7 = tpu.memref_slice %arg3[%mul3A_2] : memref<16384xi32, #tpu.memory_space<hbm>> -> memref<256xi32, #tpu.memory_space<hbm>>
      %dma_start3A_8 = tpu.memref_slice %arg3[%mul3A_2] : memref<16384xi32, #tpu.memory_space<hbm>> -> memref<256xi32, #tpu.memory_space<hbm>>
      tpu.enqueue_dma source(%dma_start3A_8 : memref<256xi32, #tpu.memory_space<hbm>>) target(%arg5 : memref<256xi32, #tpu.memory_space<vmem>>) target_semaphore(%run_scoped3A : memref<!tpu.dma_semaphore, #tpu.memory_space<semaphore_mem>>)
      %dma_wait3A_9 = tpu.memref_slice %arg3[%mul3A_2] : memref<16384xi32, #tpu.memory_space<hbm>> -> memref<256xi32, #tpu.memory_space<hbm>>
      %dma_wait3A_10 = tpu.memref_slice %arg3[%mul3A_2] : memref<16384xi32, #tpu.memory_space<hbm>> -> memref<256xi32, #tpu.memory_space<hbm>>
      tpu.wait_dma2 semaphore(%run_scoped3A : memref<!tpu.dma_semaphore, #tpu.memory_space<semaphore_mem>>) src(%dma_wait3A_10 : memref<256xi32, #tpu.memory_space<hbm>>) dst(%arg5 : memref<256xi32, #tpu.memory_space<vmem>>)
      tpu.yield
    }) : () -> ()
    %dma_start3A = arith.constant 0 : i32
    %dma_start3A_3 = arith.constant 0 : i32
    %dma_start3A_4 = tpu.memref_slice %arg2[%dma_start3A, %dma_start3A_3] : memref<100x128xf32, #tpu.memory_space<hbm>> -> memref<100x128xf32, #tpu.memory_space<hbm>>
    tpu.enqueue_indirect_dma source(%dma_start3A_4 : memref<100x128xf32, #tpu.memory_space<hbm>>) target(%arg6 : memref<256x128xf32, #tpu.memory_space<vmem>>) offsets(%arg5 : memref<256xi32, #tpu.memory_space<vmem>>) semaphore(%arg7 : memref<!tpu.dma_semaphore, #tpu.memory_space<semaphore_mem>>)
    %dma_wait3A = arith.constant 0 : i32
    %dma_wait3A_5 = arith.constant 0 : i32
    %dma_wait3A_6 = tpu.memref_slice %arg2[%dma_wait3A, %dma_wait3A_5] : memref<100x128xf32, #tpu.memory_space<hbm>> -> memref<100x128xf32, #tpu.memory_space<hbm>>
    tpu.wait_indirect_dma semaphore(%arg7 : memref<!tpu.dma_semaphore, #tpu.memory_space<semaphore_mem>>) src(%dma_wait3A_6 : memref<100x128xf32, #tpu.memory_space<hbm>>) dst(%arg6 : memref<256x128xf32, #tpu.memory_space<vmem>>)
    "tpu.region"() ({
      %run_scoped3A = tpu.sem_alloc : memref<!tpu.dma_semaphore, #tpu.memory_space<semaphore_mem>>
      %dma_start3A_7 = arith.constant 0 : i32
      %dma_start3A_8 = tpu.memref_slice %arg4[%mul3A_2, %dma_start3A_7] : memref<8192x128xf32, #tpu.memory_space<hbm>> -> memref<256x128xf32, #tpu.memory_space<hbm>>
      %dma_start3A_9 = arith.constant 0 : i32
      %dma_start3A_10 = tpu.memref_slice %arg4[%mul3A_2, %dma_start3A_9] : memref<8192x128xf32, #tpu.memory_space<hbm>> -> memref<256x128xf32, #tpu.memory_space<hbm>>
      tpu.enqueue_dma source(%arg6 : memref<256x128xf32, #tpu.memory_space<vmem>>) target(%dma_start3A_10 : memref<256x128xf32, #tpu.memory_space<hbm>>) target_semaphore(%run_scoped3A : memref<!tpu.dma_semaphore, #tpu.memory_space<semaphore_mem>>)
      %dma_wait3A_11 = arith.constant 0 : i32
      %dma_wait3A_12 = tpu.memref_slice %arg4[%mul3A_2, %dma_wait3A_11] : memref<8192x128xf32, #tpu.memory_space<hbm>> -> memref<256x128xf32, #tpu.memory_space<hbm>>
      %dma_wait3A_13 = arith.constant 0 : i32
      %dma_wait3A_14 = tpu.memref_slice %arg4[%mul3A_2, %dma_wait3A_13] : memref<8192x128xf32, #tpu.memory_space<hbm>> -> memref<256x128xf32, #tpu.memory_space<hbm>>
      tpu.wait_dma2 semaphore(%run_scoped3A : memref<!tpu.dma_semaphore, #tpu.memory_space<semaphore_mem>>) src(%arg6 : memref<256x128xf32, #tpu.memory_space<vmem>>) dst(%dma_wait3A_14 : memref<256x128xf32, #tpu.memory_space<hbm>>)
      tpu.yield
    }) : () -> ()
    return
  }
}

module attributes {stable_mosaic.version = 14 : i64} {
  func.func @_onehot_body(%arg0: i32, %arg1: memref<256x128xf32, #tpu.memory_space<vmem>>, %arg2: memref<50x128xf32, #tpu.memory_space<vmem>>, %arg3: memref<1x128xf32, #tpu.memory_space<vmem>>, %arg4: memref<1x128xf32, #tpu.memory_space<vmem>>, %arg5: memref<100x128xf32, #tpu.memory_space<vmem>>, %arg6: memref<1x1x2048xi32, #tpu.memory_space<vmem>>, %arg7: memref<2048x50xf32, #tpu.memory_space<vmem>>, %arg8: memref<2048x128xf32, #tpu.memory_space<vmem>>, %arg9: memref<50x128xf32, #tpu.memory_space<vmem>>, %arg10: memref<1x128xf32, #tpu.memory_space<vmem>>) attributes {dimension_semantics = [#tpu.dimension_semantics<arbitrary>], iteration_bounds = array<i64: 4>, scalar_prefetch = 0 : i64, scratch_operands = 2 : i64, tpu.core_type = #tpu.core_type<tc>, window_params = [{pipeline_mode = #tpu.pipeline_mode<synchronous>, transform_indices = @transform_0, window_bounds = array<i64: 256, 128>}, {pipeline_mode = #tpu.pipeline_mode<synchronous>, transform_indices = @transform_1, window_bounds = array<i64: 50, 128>}, {pipeline_mode = #tpu.pipeline_mode<synchronous>, transform_indices = @transform_2, window_bounds = array<i64: 1, 128>}, {pipeline_mode = #tpu.pipeline_mode<synchronous>, transform_indices = @transform_3, window_bounds = array<i64: 1, 128>}, {pipeline_mode = #tpu.pipeline_mode<synchronous>, transform_indices = @transform_4, window_bounds = array<i64: 100, 128>}, {transform_indices = @transform_5, window_bounds = array<i64: 1, 1, 2048>}, {transform_indices = @transform_6, window_bounds = array<i64: 2048, 50>}, {transform_indices = @transform_7, window_bounds = array<i64: 2048, 128>}]} {
    %eq3A = arith.constant 0 : i32
    %eq3A_0 = arith.cmpi eq, %arg0, %eq3A : i32
    %convert_element_type3A = arith.extui %eq3A_0 : i1 to i32
    %cond3A = arith.constant 0 : i32
    %cond3A_1 = arith.cmpi ne, %convert_element_type3A, %cond3A : i32
    scf.if %cond3A_1 {
      %get3A_35 = arith.constant 128 : index
      %get3A_36 = arith.constant 0 : index
      %get3A_37 = vector.load %arg1[%get3A_35, %get3A_36] : memref<256x128xf32, #tpu.memory_space<vmem>>, vector<128x128xf32>
      %get3A_38 = arith.constant 0 : index
      %get3A_39 = arith.constant 0 : index
      %get3A_40 = vector.load %arg2[%get3A_38, %get3A_39] : memref<50x128xf32, #tpu.memory_space<vmem>>, vector<50x128xf32>
      %dot_general3A_41 = arith.constant dense<0.000000e+00> : vector<50x128xf32>
      %dot_general3A_42 = tpu.matmul %get3A_40, %get3A_37, %dot_general3A_41 {dimension_numbers = #tpu.dot_dimension_numbers<[1], [0], [0], [1], [0, 0, 1, 1], [], []>, transpose_lhs_hint = false} : vector<50x128xf32>, vector<128x128xf32>, vector<50x128xf32> -> vector<50x128xf32>
      %swap3A_43 = arith.constant 0 : index
      %swap3A_44 = arith.constant 0 : index
      %swap3A_45 = vector.load %arg9[%swap3A_43, %swap3A_44] : memref<50x128xf32, #tpu.memory_space<vmem>>, vector<50x128xf32>
      tpu.vector_store %arg9[%swap3A_43, %swap3A_44], %dot_general3A_42 {strides = array<i32>} : memref<50x128xf32, #tpu.memory_space<vmem>>, vector<50x128xf32>,
      %get3A_46 = arith.constant 0 : index
      %get3A_47 = arith.constant 0 : index
      %get3A_48 = vector.load %arg3[%get3A_46, %get3A_47] : memref<1x128xf32, #tpu.memory_space<vmem>>, vector<1x128xf32>
      %dot_general3A_49 = arith.constant dense<0.000000e+00> : vector<1x128xf32>
      %dot_general3A_50 = tpu.matmul %get3A_48, %get3A_37, %dot_general3A_49 {dimension_numbers = #tpu.dot_dimension_numbers<[1], [0], [0], [1], [0, 0, 1, 1], [], []>, transpose_lhs_hint = false} : vector<1x128xf32>, vector<128x128xf32>, vector<1x128xf32> -> vector<1x128xf32>
      %get3A_51 = arith.constant 0 : index
      %get3A_52 = arith.constant 0 : index
      %get3A_53 = vector.load %arg4[%get3A_51, %get3A_52] : memref<1x128xf32, #tpu.memory_space<vmem>>, vector<1x128xf32>
      %add3A_54 = arith.addf %dot_general3A_50, %get3A_53 : vector<1x128xf32>
      %swap3A_55 = arith.constant 0 : index
      %swap3A_56 = arith.constant 0 : index
      %swap3A_57 = vector.load %arg10[%swap3A_55, %swap3A_56] : memref<1x128xf32, #tpu.memory_space<vmem>>, vector<1x128xf32>
      tpu.vector_store %arg10[%swap3A_55, %swap3A_56], %add3A_54 {strides = array<i32>} : memref<1x128xf32, #tpu.memory_space<vmem>>, vector<1x128xf32>,
    } else {
    }
    %get3A = arith.constant 0 : index
    %get3A_2 = arith.constant 0 : index
    %get3A_3 = vector.load %arg7[%get3A, %get3A_2] : memref<2048x50xf32, #tpu.memory_space<vmem>>, vector<2048x50xf32>
    %get3A_4 = arith.constant 0 : index
    %get3A_5 = arith.constant 0 : index
    %get3A_6 = vector.load %arg9[%get3A_4, %get3A_5] : memref<50x128xf32, #tpu.memory_space<vmem>>, vector<50x128xf32>
    %dot_general3A = arith.constant dense<0.000000e+00> : vector<2048x128xf32>
    %dot_general3A_7 = tpu.matmul %get3A_3, %get3A_6, %dot_general3A {dimension_numbers = #tpu.dot_dimension_numbers<[1], [0], [0], [1], [0, 0, 1, 1], [], []>, transpose_lhs_hint = false} : vector<2048x50xf32>, vector<50x128xf32>, vector<2048x128xf32> -> vector<2048x128xf32>
    %get3A_8 = arith.constant 0 : index
    %get3A_9 = arith.constant 0 : index
    %get3A_10 = vector.load %arg10[%get3A_8, %get3A_9] : memref<1x128xf32, #tpu.memory_space<vmem>>, vector<1x128xf32>
    %add3A = vector.broadcast %get3A_10 : vector<1x128xf32> to vector<2048x128xf32>
    %add3A_11 = arith.addf %dot_general3A_7, %add3A : vector<2048x128xf32>
    %iota3A = tpu.iota {dimensions = array<i32: 0>} : vector<100x1xi32>
    %get3A_12 = arith.constant 0 : index
    %get3A_13 = arith.constant 0 : index
    %get3A_14 = arith.constant 0 : index
    %get3A_15 = vector.load %arg6[%get3A_12, %get3A_13, %get3A_14] : memref<1x1x2048xi32, #tpu.memory_space<vmem>>, vector<1x1x2048xi32>
    %get3A_16 = vector.shape_cast %get3A_15 : vector<1x1x2048xi32> to vector<1x2048xi32>
    %eq3A_17 = vector.broadcast %get3A_16 : vector<1x2048xi32> to vector<100x2048xi32>
    %eq3A_18 = vector.broadcast %iota3A : vector<100x1xi32> to vector<100x2048xi32>
    %eq3A_19 = arith.cmpi eq, %eq3A_17, %eq3A_18 : vector<100x2048xi32>
    %convert_element_type3A_20 = arith.extui %eq3A_19 : vector<100x2048xi1> to vector<100x2048xi32>
    %convert_element_type3A_21 = arith.sitofp %convert_element_type3A_20 : vector<100x2048xi32> to vector<100x2048xf32>
    %get3A_22 = arith.constant 0 : index
    %get3A_23 = arith.constant 0 : index
    %get3A_24 = vector.load %arg5[%get3A_22, %get3A_23] : memref<100x128xf32, #tpu.memory_space<vmem>>, vector<100x128xf32>
    %dot_general3A_25 = arith.constant dense<0.000000e+00> : vector<2048x128xf32>
    %dot_general3A_26 = tpu.matmul %convert_element_type3A_21, %get3A_24, %dot_general3A_25 {dimension_numbers = #tpu.dot_dimension_numbers<[0], [0], [1], [1], [0, 1, 1, 1], [], []>, transpose_lhs_hint = false} : vector<100x2048xf32>, vector<100x128xf32>, vector<2048x128xf32> -> vector<2048x128xf32>
    %get3A_27 = arith.constant 0 : index
    %get3A_28 = arith.constant 0 : index
    %get3A_29 = vector.load %arg1[%get3A_27, %get3A_28] : memref<256x128xf32, #tpu.memory_space<vmem>>, vector<128x128xf32>
    %dot_general3A_30 = arith.constant dense<0.000000e+00> : vector<2048x128xf32>
    %dot_general3A_31 = tpu.matmul %dot_general3A_26, %get3A_29, %dot_general3A_30 {dimension_numbers = #tpu.dot_dimension_numbers<[1], [0], [0], [1], [0, 0, 1, 1], [], []>, transpose_lhs_hint = false} : vector<2048x128xf32>, vector<128x128xf32>, vector<2048x128xf32> -> vector<2048x128xf32>
    %add3A_32 = arith.addf %dot_general3A_31, %add3A_11 : vector<2048x128xf32>
    %swap3A = arith.constant 0 : index
    %swap3A_33 = arith.constant 0 : index
    %swap3A_34 = vector.load %arg8[%swap3A, %swap3A_33] : memref<2048x128xf32, #tpu.memory_space<vmem>>, vector<2048x128xf32>
    tpu.vector_store %arg8[%swap3A, %swap3A_33], %add3A_32 {strides = array<i32>} : memref<2048x128xf32, #tpu.memory_space<vmem>>, vector<2048x128xf32>,
    return
  }
  func.func @transform_0(%arg0: i32) -> (i32, i32) {
    %c0_i32 = arith.constant 0 : i32
    %c0_i32_0 = arith.constant 0 : i32
    %c0_i32_1 = arith.constant 0 : i32
    return %c0_i32, %c0_i32_0 : i32, i32
  }
  func.func @transform_1(%arg0: i32) -> (i32, i32) {
    %c0_i32 = arith.constant 0 : i32
    %c0_i32_0 = arith.constant 0 : i32
    %c0_i32_1 = arith.constant 0 : i32
    return %c0_i32, %c0_i32_0 : i32, i32
  }
  func.func @transform_2(%arg0: i32) -> (i32, i32) {
    %c0_i32 = arith.constant 0 : i32
    %c0_i32_0 = arith.constant 0 : i32
    %c0_i32_1 = arith.constant 0 : i32
    return %c0_i32, %c0_i32_0 : i32, i32
  }
  func.func @transform_3(%arg0: i32) -> (i32, i32) {
    %c0_i32 = arith.constant 0 : i32
    %c0_i32_0 = arith.constant 0 : i32
    %c0_i32_1 = arith.constant 0 : i32
    return %c0_i32, %c0_i32_0 : i32, i32
  }
  func.func @transform_4(%arg0: i32) -> (i32, i32) {
    %c0_i32 = arith.constant 0 : i32
    %c0_i32_0 = arith.constant 0 : i32
    %c0_i32_1 = arith.constant 0 : i32
    return %c0_i32, %c0_i32_0 : i32, i32
  }
  func.func @transform_5(%arg0: i32) -> (i32, i32, i32) {
    %add3A = arith.constant 4 : i32
    %add3A_0 = arith.addi %arg0, %add3A : i32
    %c0_i32 = arith.constant 0 : i32
    %c0_i32_1 = arith.constant 0 : i32
    %c0_i32_2 = arith.constant 0 : i32
    return %add3A_0, %c0_i32, %c0_i32_1 : i32, i32, i32
  }
  func.func @transform_6(%arg0: i32) -> (i32, i32) {
    %add3A = arith.constant 4 : i32
    %add3A_0 = arith.addi %arg0, %add3A : i32
    %c0_i32 = arith.constant 0 : i32
    %c0_i32_1 = arith.constant 0 : i32
    return %add3A_0, %c0_i32 : i32, i32
  }
  func.func @transform_7(%arg0: i32) -> (i32, i32) {
    %add3A = arith.constant 4 : i32
    %add3A_0 = arith.addi %arg0, %add3A : i32
    %c0_i32 = arith.constant 0 : i32
    %c0_i32_1 = arith.constant 0 : i32
    return %add3A_0, %c0_i32 : i32, i32
  }
}

module attributes {stable_mosaic.version = 14 : i64} {
  func.func @_gathered_body(%arg0: i32, %arg1: memref<16384x128xf32, #tpu.memory_space<any>>, %arg2: memref<256x128xf32, #tpu.memory_space<vmem>>, %arg3: memref<50x128xf32, #tpu.memory_space<vmem>>, %arg4: memref<1x128xf32, #tpu.memory_space<vmem>>, %arg5: memref<1x128xf32, #tpu.memory_space<vmem>>, %arg6: memref<2048x128xf32, #tpu.memory_space<vmem>>, %arg7: memref<2048x50xf32, #tpu.memory_space<vmem>>, %arg8: memref<2048x128xf32, #tpu.memory_space<vmem>>, %arg9: memref<50x128xf32, #tpu.memory_space<vmem>>, %arg10: memref<1x128xf32, #tpu.memory_space<vmem>>) attributes {dimension_semantics = [#tpu.dimension_semantics<arbitrary>], iteration_bounds = array<i64: 4>, scalar_prefetch = 0 : i64, scratch_operands = 2 : i64, tpu.core_type = #tpu.core_type<tc>, window_params = [{}, {pipeline_mode = #tpu.pipeline_mode<synchronous>, transform_indices = @transform_1, window_bounds = array<i64: 256, 128>}, {pipeline_mode = #tpu.pipeline_mode<synchronous>, transform_indices = @transform_2, window_bounds = array<i64: 50, 128>}, {pipeline_mode = #tpu.pipeline_mode<synchronous>, transform_indices = @transform_3, window_bounds = array<i64: 1, 128>}, {pipeline_mode = #tpu.pipeline_mode<synchronous>, transform_indices = @transform_4, window_bounds = array<i64: 1, 128>}, {transform_indices = @transform_5, window_bounds = array<i64: 2048, 128>}, {transform_indices = @transform_6, window_bounds = array<i64: 2048, 50>}, {transform_indices = @transform_7, window_bounds = array<i64: 2048, 128>}]} {
    %eq3A = arith.constant 0 : i32
    %eq3A_0 = arith.cmpi eq, %arg0, %eq3A : i32
    %convert_element_type3A = arith.extui %eq3A_0 : i1 to i32
    %cond3A = arith.constant 0 : i32
    %cond3A_1 = arith.cmpi ne, %convert_element_type3A, %cond3A : i32
    scf.if %cond3A_1 {
      %get3A_23 = arith.constant 128 : index
      %get3A_24 = arith.constant 0 : index
      %get3A_25 = vector.load %arg2[%get3A_23, %get3A_24] : memref<256x128xf32, #tpu.memory_space<vmem>>, vector<128x128xf32>
      %get3A_26 = arith.constant 0 : index
      %get3A_27 = arith.constant 0 : index
      %get3A_28 = vector.load %arg3[%get3A_26, %get3A_27] : memref<50x128xf32, #tpu.memory_space<vmem>>, vector<50x128xf32>
      %dot_general3A_29 = arith.constant dense<0.000000e+00> : vector<50x128xf32>
      %dot_general3A_30 = tpu.matmul %get3A_28, %get3A_25, %dot_general3A_29 {dimension_numbers = #tpu.dot_dimension_numbers<[1], [0], [0], [1], [0, 0, 1, 1], [], []>, transpose_lhs_hint = false} : vector<50x128xf32>, vector<128x128xf32>, vector<50x128xf32> -> vector<50x128xf32>
      %swap3A_31 = arith.constant 0 : index
      %swap3A_32 = arith.constant 0 : index
      %swap3A_33 = vector.load %arg9[%swap3A_31, %swap3A_32] : memref<50x128xf32, #tpu.memory_space<vmem>>, vector<50x128xf32>
      tpu.vector_store %arg9[%swap3A_31, %swap3A_32], %dot_general3A_30 {strides = array<i32>} : memref<50x128xf32, #tpu.memory_space<vmem>>, vector<50x128xf32>,
      %get3A_34 = arith.constant 0 : index
      %get3A_35 = arith.constant 0 : index
      %get3A_36 = vector.load %arg4[%get3A_34, %get3A_35] : memref<1x128xf32, #tpu.memory_space<vmem>>, vector<1x128xf32>
      %dot_general3A_37 = arith.constant dense<0.000000e+00> : vector<1x128xf32>
      %dot_general3A_38 = tpu.matmul %get3A_36, %get3A_25, %dot_general3A_37 {dimension_numbers = #tpu.dot_dimension_numbers<[1], [0], [0], [1], [0, 0, 1, 1], [], []>, transpose_lhs_hint = false} : vector<1x128xf32>, vector<128x128xf32>, vector<1x128xf32> -> vector<1x128xf32>
      %get3A_39 = arith.constant 0 : index
      %get3A_40 = arith.constant 0 : index
      %get3A_41 = vector.load %arg5[%get3A_39, %get3A_40] : memref<1x128xf32, #tpu.memory_space<vmem>>, vector<1x128xf32>
      %add3A_42 = arith.addf %dot_general3A_38, %get3A_41 : vector<1x128xf32>
      %swap3A_43 = arith.constant 0 : index
      %swap3A_44 = arith.constant 0 : index
      %swap3A_45 = vector.load %arg10[%swap3A_43, %swap3A_44] : memref<1x128xf32, #tpu.memory_space<vmem>>, vector<1x128xf32>
      tpu.vector_store %arg10[%swap3A_43, %swap3A_44], %add3A_42 {strides = array<i32>} : memref<1x128xf32, #tpu.memory_space<vmem>>, vector<1x128xf32>,
    } else {
    }
    %get3A = arith.constant 0 : index
    %get3A_2 = arith.constant 0 : index
    %get3A_3 = vector.load %arg7[%get3A, %get3A_2] : memref<2048x50xf32, #tpu.memory_space<vmem>>, vector<2048x50xf32>
    %get3A_4 = arith.constant 0 : index
    %get3A_5 = arith.constant 0 : index
    %get3A_6 = vector.load %arg9[%get3A_4, %get3A_5] : memref<50x128xf32, #tpu.memory_space<vmem>>, vector<50x128xf32>
    %dot_general3A = arith.constant dense<0.000000e+00> : vector<2048x128xf32>
    %dot_general3A_7 = tpu.matmul %get3A_3, %get3A_6, %dot_general3A {dimension_numbers = #tpu.dot_dimension_numbers<[1], [0], [0], [1], [0, 0, 1, 1], [], []>, transpose_lhs_hint = false} : vector<2048x50xf32>, vector<50x128xf32>, vector<2048x128xf32> -> vector<2048x128xf32>
    %get3A_8 = arith.constant 0 : index
    %get3A_9 = arith.constant 0 : index
    %get3A_10 = vector.load %arg10[%get3A_8, %get3A_9] : memref<1x128xf32, #tpu.memory_space<vmem>>, vector<1x128xf32>
    %add3A = vector.broadcast %get3A_10 : vector<1x128xf32> to vector<2048x128xf32>
    %add3A_11 = arith.addf %dot_general3A_7, %add3A : vector<2048x128xf32>
    %get3A_12 = arith.constant 0 : index
    %get3A_13 = arith.constant 0 : index
    %get3A_14 = vector.load %arg6[%get3A_12, %get3A_13] : memref<2048x128xf32, #tpu.memory_space<vmem>>, vector<2048x128xf32>
    %get3A_15 = arith.constant 0 : index
    %get3A_16 = arith.constant 0 : index
    %get3A_17 = vector.load %arg2[%get3A_15, %get3A_16] : memref<256x128xf32, #tpu.memory_space<vmem>>, vector<128x128xf32>
    %dot_general3A_18 = arith.constant dense<0.000000e+00> : vector<2048x128xf32>
    %dot_general3A_19 = tpu.matmul %get3A_14, %get3A_17, %dot_general3A_18 {dimension_numbers = #tpu.dot_dimension_numbers<[1], [0], [0], [1], [0, 0, 1, 1], [], []>, transpose_lhs_hint = false} : vector<2048x128xf32>, vector<128x128xf32>, vector<2048x128xf32> -> vector<2048x128xf32>
    %add3A_20 = arith.addf %dot_general3A_19, %add3A_11 : vector<2048x128xf32>
    %swap3A = arith.constant 0 : index
    %swap3A_21 = arith.constant 0 : index
    %swap3A_22 = vector.load %arg8[%swap3A, %swap3A_21] : memref<2048x128xf32, #tpu.memory_space<vmem>>, vector<2048x128xf32>
    tpu.vector_store %arg8[%swap3A, %swap3A_21], %add3A_20 {strides = array<i32>} : memref<2048x128xf32, #tpu.memory_space<vmem>>, vector<2048x128xf32>,
    return
  }
  func.func @transform_1(%arg0: i32) -> (i32, i32) {
    %c0_i32 = arith.constant 0 : i32
    %c0_i32_0 = arith.constant 0 : i32
    %c0_i32_1 = arith.constant 0 : i32
    return %c0_i32, %c0_i32_0 : i32, i32
  }
  func.func @transform_2(%arg0: i32) -> (i32, i32) {
    %c0_i32 = arith.constant 0 : i32
    %c0_i32_0 = arith.constant 0 : i32
    %c0_i32_1 = arith.constant 0 : i32
    return %c0_i32, %c0_i32_0 : i32, i32
  }
  func.func @transform_3(%arg0: i32) -> (i32, i32) {
    %c0_i32 = arith.constant 0 : i32
    %c0_i32_0 = arith.constant 0 : i32
    %c0_i32_1 = arith.constant 0 : i32
    return %c0_i32, %c0_i32_0 : i32, i32
  }
  func.func @transform_4(%arg0: i32) -> (i32, i32) {
    %c0_i32 = arith.constant 0 : i32
    %c0_i32_0 = arith.constant 0 : i32
    %c0_i32_1 = arith.constant 0 : i32
    return %c0_i32, %c0_i32_0 : i32, i32
  }
  func.func @transform_5(%arg0: i32) -> (i32, i32) {
    %c0_i32 = arith.constant 0 : i32
    %c0_i32_0 = arith.constant 0 : i32
    return %arg0, %c0_i32 : i32, i32
  }
  func.func @transform_6(%arg0: i32) -> (i32, i32) {
    %c0_i32 = arith.constant 0 : i32
    %c0_i32_0 = arith.constant 0 : i32
    return %arg0, %c0_i32 : i32, i32
  }
  func.func @transform_7(%arg0: i32) -> (i32, i32) {
    %c0_i32 = arith.constant 0 : i32
    %c0_i32_0 = arith.constant 0 : i32
    return %arg0, %c0_i32 : i32, i32
  }
}

</mosaic_0001>

<sc_bundles>
// kernel: kernel.5.cloned.1.call-start
scs
__scs_entry_jumppad:
0x0: {  	(pc) =	sbr.rel $0x88, $3  }
0x1: {  	(tag) =	ssettag $0x0;
	lr =	simm.s32 $0x1  }
0x2: {  	[smem:$0x3F9A] =	sst lr;
	_ =	strace $0xD0000000  }
0x3: {  	_ = 	snop  }
0x4: {  	_ = 	snop  }
0x5: {  	_ = 	snop  }
0x6: {  	_ = 	snop  }
0x7: {  	_ = 	snop  }
__scs_overlays_trampoline_lowered:
0x8: {  	[smem:$0x3FA9] =	sst s0  }
0x9: {  	[smem:$0x3FAA] =	sst s1  }
0xa: {  	[smem:$0x3FAB] =	sst s2  }
0xb: {  	[smem:$0x3FAC] =	sst s3  }
0xc: {  	[smem:$0x3FAD] =	sst s4  }
0xd: {  	[smem:$0x3FAE] =	sst s5  }
0xe: {  	[smem:$0x3FAF] =	sst s6  }
0xf: {  	[smem:$0x3FB0] =	sst s7  }
0x10: {  	[smem:$0x3FB1] =	sst s8  }
0x11: {  	[smem:$0x3FB2] =	sst s9;
	s0 =	simm.s32 @!p0 $0x0  }
0x12: {  	s1 =	sld [smem:$0x3F98];
	s0 =	simm.s32 @p0 $0x1  }
0x13: {  	[smem:$0x3FB3] =	sst s0;
	s0 =	simm.s32 @!p1 $0x0  }
0x14: {  	s2 =	sld [smem:$0x3F97];
	s0 =	simm.s32 @p1 $0x1  }
0x15: {  	[smem:$0x3FB4] =	sst s0;
	s0 =	simm.s32 @!p2 $0x0  }
0x16: {  	s3 =	sld [smem:$0x3FDB];
	s0 =	simm.s32 @p2 $0x1  }
0x17: {  	s4 =	simm.s32 $0x1BF5;
	[smem:$0x3FB6] =	sst s0  }
0x18: {  	s0 =	sld [smem:$0x3F99];
	_ =	swait.ge [sflag:s4], $0x0  }
0x19: {  	s7 =	sld [smem:$0x3F9A]  }
0x1a: {  	s8 =	sadd.s32 $0xFFFFE003, lr  }
0x1b: {  	s9 =	sadd.s32 $0xFFFFFEF7, lr;
	s5 =	simm.s32 $0xFFFFFFFF;
	p2 =	slt.u32 s8, $0xFFFFF086  }
0x1c: {  	p1 =	slt.u32 s9, $0xF7A;
	s5 =	simm.s32 @!p2 $0x0  }
0x1d: {  	s5 =	simm.s32 @p1 $0x1;
	p0 =	seq.s32 s7, s2  }
0x1e: {  	s7 =	smul.u32 @!p0 $0xF7A, s2;
	p2 =	seq.s32 @!p0 s5, $0x0  }
0x1f: {  	s9 =	smul.u32 $0xF7A, s1;
	s8 =	simm.s32 @!p0 $0x1BF5;
	p2 =	por !p2, p0  }
0x20: {  	[sflag:s8] =	ssyncset.s32 @!p0 $0xFFFFF086;
	s6 =	sadd.s32 @!p0 s3, s7;
	s7 =	simm.s32 @!p0 $0x108  }
0x21: {  	s3 =	sadd.s32 s3, s9;
	s6 =	sadd.s32 @!p0 $0x88, s6;
	s7 =	simm.s32 @p2 $0x1082  }
0x22: {  	[simem:s7], [sflag:s8] =	dma.local @!p0 [hbm:s6], $0xF7A  }
0x23: {  	s9 =	sor.u32 $0xD0000000, s2;
	s6 =	simm.s32 $0x108;
	_ =	swait.ge @!p0 [sflag:s8], $0x0  }
0x24: {  	s3 =	sadd.s32 $0x88, s3;
	s6 =	simm.s32 @!p1 $0x1082;
	[sflag:s4] =	ssyncset.s32 $0xFFFFF086  }
0x25: {  	[simem:s6], [sflag:s4] =	dma.local [hbm:s3], $0xF7A  }
0x26: {  	[smem:$0x3F9A] =	sst s1;
	(tag) =	ssettag s2;
	_ =	strace s9  }
0x27: {  	s1 =	sld [smem:$0x3FAA]  }
0x28: {  	s2 =	sld [smem:$0x3FAB]  }
0x29: {  	s4 =	sld [smem:$0x3FAD]  }
0x2a: {  	p0 =	seq.s32 s5, $0x0;
	s5 =	sld [smem:$0x3FAE]  }
0x2b: {  	s6 =	sld [smem:$0x3FAF]  }
0x2c: {  	s7 =	sld [smem:$0x3FB0]  }
0x2d: {  	s3 =	simm.s32 $0x108;
	s8 =	sld [smem:$0x3FB1]  }
0x2e: {  	s3 =	simm.s32 @!p0 $0x1082;
	s9 =	sld [smem:$0x3FB2]  }
0x2f: {  	lr =	sadd.s32 s0, s3;
	s0 =	sld [smem:$0x3FA9]  }
0x30: {  	s3 =	sld [smem:$0x3FAC]  }
0x31: {  	[smem:$0x3FB5] =	sst s10  }
0x32: {  	s10 =	sld [smem:$0x3FB3];
	_ =	sdelay $0x3  }
0x33: {  	p0 =	seq.s32 s10, $0x1;
	s10 =	sld [smem:$0x3FB5];
	_ =	sdelay $0x3  }
0x34: {  	[smem:$0x3FB5] =	sst s10  }
0x35: {  	s10 =	sld [smem:$0x3FB4];
	_ =	sdelay $0x3  }
0x36: {  	p1 =	seq.s32 s10, $0x1;
	s10 =	sld [smem:$0x3FB5];
	_ =	sdelay $0x3  }
0x37: {  	[smem:$0x3FB5] =	sst s10  }
0x38: {  	s10 =	sld [smem:$0x3FB6]  }
0x39: {  	_ = 	snop;
	(pc) =	sbr.ind lr, $3  }
0x3a: {  	_ = 	snop  }
0x3b: {  	_ = 	snop  }
0x3c: {  	p2 =	seq.s32 s10, $0x1;
	s10 =	sld [smem:$0x3FB5]  }
0x3d: {  	_ =	shalt  }
0x3e: {  	_ =	shalt  }
0x3f: {  	_ =	shalt  }
0x40: {  	_ =	shalt  }
0x41: {  	_ =	shalt  }
0x42: {  	_ =	shalt  }
0x43: {  	_ =	shalt  }
0x44: {  	_ =	shalt  }
0x45: {  	_ =	shalt  }
0x46: {  	_ =	shalt  }
0x47: {  	_ =	shalt  }
0x48: {  	_ =	shalt  }
0x49: {  	_ =	shalt  }
0x4a: {  	_ =	shalt  }
0x4b: {  	_ =	shalt  }
0x4c: {  	_ =	shalt  }
0x4d: {  	_ =	shalt  }
0x4e: {  	_ =	shalt  }
0x4f: {  	_ =	shalt  }
0x50: {  	_ =	shalt  }
0x51: {  	_ =	shalt  }
0x52: {  	_ =	shalt  }
0x53: {  	_ =	shalt  }
0x54: {  	_ =	shalt  }
0x55: {  	_ =	shalt  }
0x56: {  	_ =	shalt  }
0x57: {  	_ =	shalt  }
0x58: {  	_ =	shalt  }
0x59: {  	_ =	shalt  }
0x5a: {  	_ =	shalt  }
0x5b: {  	_ =	shalt  }
0x5c: {  	_ =	shalt  }
0x5d: {  	_ =	shalt  }
0x5e: {  	_ =	shalt  }
0x5f: {  	_ =	shalt  }
0x60: {  	_ =	shalt  }
0x61: {  	_ =	shalt  }
0x62: {  	_ =	shalt  }
0x63: {  	_ =	shalt  }
0x64: {  	_ =	shalt  }
0x65: {  	_ =	shalt  }
0x66: {  	_ =	shalt  }
0x67: {  	_ =	shalt  }
0x68: {  	_ =	shalt  }
0x69: {  	_ =	shalt  }
0x6a: {  	_ =	shalt  }
0x6b: {  	_ =	shalt  }
0x6c: {  	_ =	shalt  }
0x6d: {  	_ =	shalt  }
0x6e: {  	_ =	shalt  }
0x6f: {  	_ =	shalt  }
0x70: {  	_ =	shalt  }
0x71: {  	_ =	shalt  }
0x72: {  	_ =	shalt  }
0x73: {  	_ =	shalt  }
0x74: {  	_ =	shalt  }
0x75: {  	_ =	shalt  }
0x76: {  	_ =	shalt  }
0x77: {  	_ =	shalt  }
0x78: {  	_ =	shalt  }
0x79: {  	_ =	shalt  }
0x7a: {  	_ =	shalt  }
0x7b: {  	_ =	shalt  }
0x7c: {  	_ =	shalt  }
0x7d: {  	_ =	shalt  }
0x7e: {  	_ =	shalt  }
0x7f: {  	_ =	shalt  }
0x80: {  	_ =	shalt  }
0x81: {  	_ =	shalt  }
0x82: {  	_ =	shalt  }
0x83: {  	_ =	shalt  }
0x84: {  	_ =	shalt  }
0x85: {  	_ =	shalt  }
0x86: {  	_ =	shalt  }
0x87: {  	_ =	shalt  }
.Lfunc_end0:
.L_simem_size_0:
called_computation_lowered:
.L_overlay_start_0:
0x88: {  	s2 =	sld [smem:$0x3FD9]  }
0x89: {  	s3 =	sld [smem:$0x3FFE];
	_ =	sdelay $0x1  }
0x8a: {  	s1 =	srdreg.scid  }
0x8b: {  	s0 =	sand.u32 $0x1, s1  }
0x8c: {  	s17 =	sshll.u32 s0, $0xA;
	s2 =	sadd.s32 s3, s2  }
0x8d: {  	s2 =	sadd.s32 s2, s17  }
0x8e: {  	[smem:$0x3FC1] =	sst s2  }
0x8f: {  	_ = 	snop  }
0x90: {  	s2 =	sld [smem:$0x3FC9]  }
0x91: {  	s18 =	sld [smem:$0x3FC7];
	(tm) =	ssettm $0x1  }
0x92: {  	s4 =	sld [smem:$0x3FFB];
	_ =	sdelay $0x3  }
0x93: {  	_ =	strace s4  }
0x94: {  	s4 =	sld [smem:$0x3FFC];
	_ =	sdelay $0x3  }
0x95: {  	_ =	strace s4  }
0x96: {  	s4 =	sld [smem:$0x3FFD];
	_ =	sdelay $0x3  }
0x97: {  	_ =	strace s4  }
0x98: {  	_ =	strace $0x8FFFFFFF  }
0x99: {  	s19 =	sld [smem:$0x3FDB];
	_ =	sdelay $0x1  }
0x9a: {  	s5 =	simm.s32 $_scs_section_size  }
0x9b: {  	s6 =	simm.s32 $_size__tile_overlayer_lowered;
	s7 =	simm.s32 $_tile_overlayer_lowered  }
0x9c: {  	s22 =	simm.s32 $0x1BFF;
	s21 =	sshll.u32 s7, $0x1;
	s4 =	sadd.s32 s5, s19  }
0x9d: {  	s8 =	simm.s32 $0x0;
	s20 =	sshll.u32 s6, $0x1;
	s6 =	sadd.s32 s21, s4  }
0x9e: {  	[timem:s8], [sflag:s22] =	dma.local [hbm:s6], s20  }
0x9f: {  	_ =	swait.ge [sflag:s22], s20  }
0xa0: {  	s5 =	ssub.s32 $0x0, s20;
	[sflag:s22] =	ssyncset.done $0x0  }
0xa1: {  	[sflag:s22] =	ssyncadd.s32 s5;
	_ =	sdelay $0x1  }
0xa2: {  	s23 =	simm.s32 $0x1B8B  }
0xa3: {  	_ =	swait.ge [sflag:s23], $0x1  }
0xa4: {  	[sflag:s23] =	ssyncset.done $0x0  }
0xa5: {  	s25 =	simm.s32 $0x1B8E;
	s24 =	sld [smem:$0x3FFE];
	[sflag:s23] =	ssyncadd.s32 $0xFFFFFFFF  }
0xa6: {  	s26 =	simm.s32 $execute0_lowered;
	[smem:$0x3FD2] =	sst s25  }
0xa7: {  	s6 =	sshll.u32 s26, $0x1;
	_ =	strace $0x80000046;
	[dreg:$0x1] =	wrdreg $0xFFFFFFFF  }
0xa8: {  	s28 =	simm.s32 $_size_execute0_lowered;
	s4 =	sadd.s32 s4, s6;
	[dreg:$0x0] =	wrdreg $0x0  }
0xa9: {  	s6 =	sshll.u32 s28, $0x1;
	[dreg:$0x2] =	wrdreg s4  }
0xaa: {  	[dreg:$0x3] =	wrdreg s6  }
0xab: {  	[dreg:$0x4] =	wrdreg $0xC0  }
0xac: {  	_ =	task [dreg:s8], $0x5FFFF  }
0xad: {  	[dreg:$0x1] =	wrdreg $0xFFFFFFFF  }
0xae: {  	[dreg:$0x0] =	wrdreg $0x60  }
0xaf: {  	[dreg:$0x2] =	wrdreg s18  }
0xb0: {  	[dreg:$0x3] =	wrdreg s2  }
0xb1: {  	[dreg:$0x4] =	wrdreg s24  }
0xb2: {  	[dreg:$0x5] =	wrdreg $0x9  }
0xb3: {  	_ =	task.clear_ibuf [dreg:s8], $0x6FFFF;
	_ =	strace $0x90000046  }
0xb4: {  	s29 =	simm.s32 $0x9;
	_ =	strace $0x80000048  }
0xb5: {  	_ =	swait.ge [sflag:s29], $0x1  }
0xb6: {  	[sflag:s29] =	ssyncadd.s32 $0xFFFFFFFF  }
0xb7: {  	_ =	strace $0x90000048  }
0xb8: {  	_ =	sfence  }
0xb9: {  	s30 =	sld [smem:$0x0];
	_ =	sdelay $0x2  }
0xba: {  	s31 =	sshll.u32 s1, $0xD;
	s1 =	sshrl.u32 s1, $0x2  }
0xbb: {  	s3 =	sand.u32 $0x4000, s31;
	s1 =	sadd.s32 s1, s30  }
0xbc: {  	s0 =	sor.u32 s3, s0;
	s1 =	sshll.u32 s1, $0x11  }
0xbd: {  	s0 =	sor.u32 s1, s0  }
0xbe: {  	s0 =	sadd.s32 $0x8F2B, s0  }
0xbf: {  	[sflag:s0] =	ssyncadd.remote.s32 $0x1  }
0xc0: {  	_ =	sfence.sel $0xFFFF  }
0xc1: {  	[dreg:$0x0] =	wrdreg $0xFFFFFFFF;
	(pc) =	sbr.abs _section_cstart, $3  }
0xc2: {  	[dreg:$0x1] =	wrdreg $0xFFFFFFFF  }
0xc3: {  	_ =	task.clear_ibuf [dreg:s8], $0x2FFFF;
	_ =	strace $0x9FFFFFFF  }
0xc4: {  	(tm) =	ssettm $0x7FFFFFFF  }
0xc5: {  	_ =	shalt  }
tec
execute0_lowered:
.L_overlay_start_1:
0x0: {  	(tag) =	ssettag $0x1  }
0x1: {  	s1 =	rddreg [dreg:$0x0];
	s2 =	srdreg.scid  }
0x2: {  	s4 =	rddreg [dreg:$0x1];
	s0 =	stileid.u32  }
0x3: {  	s8 =	rddreg [dreg:$0x2];
	s3 =	simm.s32 $0x0;
	s6 =	sand.u32 $0x1, s2  }
0x4: {  	s5 =	sshll.u32 s0, $0x9;
	s2 =	rddreg [dreg:$0x3];
	s7 =	sshll.u32 s6, $0x8  }
0x5: {  	[smem:$0x7FF] =	sst s3;
	s9 =	sor.u32 s7, s5  }
0x6: {  	_ =	strace $0x80000047;
	s10 =	ssub.s32 $0x2, s6;
	s5 =	sshrl.u32 s9, $0x3  }
0x7: {  	s6 =	simm.s32 $0x100;
	s5 =	sadd.s32 s4, s5;
	s4 =	simm.s32 $0x2  }
0x8: {  	[tilespmem:s3], [sflag:$0x2] =	stream.linear.gather [hbm4b:s5+s3], $0x100, $0x38;
	[tilespmem:$0x8100] =	vst v63  }
0x9: {  	s7 =	simm.s32 $0x1;
	s11 =	sshrl.u32 s10, $0x1;
	_ =	swait.ge [sflag:s4], $0x100  }
0xa: {  	s9 =	sshll.u32 s9, $0x4;
	s31 =	ssub.s32 s10, s11;
	[sflag:s4] =	ssyncset.done $0x0  }
0xb: {  	s8 =	sadd.s32 s9, s8;
	s9 =	smax.u32 s31, $0x1;
	[sflag:s4] =	ssyncadd.s32 $0xFFFFFF00  }
0xc: {  	[tilespmem:s6], [sflag:$0x1] =	stream.indirect.gather [hbm4b:s1+s6], $0x80, s3, s6, $0xb8;
	[tilespmem:$0x8100] =	vst v63  }
0xd: {  	p0 =	sne.s32 s9, $0x1;
	_ =	swait.ge [sflag:s7], $0x8000  }
.Ltmp0:
0xe: {  	[sflag:s7] =	ssyncset.done $0x0;
	(pc) =	sbr.rel @!p0 .LBB2_2-.Ltmp0, $4  }
0xf: {  	s8 =	sadd.s32 $0x1400, s8;
	[sflag:s7] =	ssyncadd.s32 $0xFFFF8000  }
0x10: {  	[hbm4b:s8+s3] =	stream.linear.scatter [tilespmem:s6], [sflag:$0x2], $0x8000, $0x38;
	[tilespmem:$0x8100] =	vst v63  }
0x11: {  	_ =	swait.ge [sflag:s4], $0x8000  }
0x12: {  	s9 =	sadd.s32 $0xFFFFFFFF, s9;
	[sflag:s4] =	ssyncset.done $0x0  }
.LBB2_1:
0x13: {  	p0 =	sne.s32 s9, $0x1;
	s9 =	sadd.s32 $0xFFFFFFFF, s9;
	[sflag:s4] =	ssyncadd.s32 $0xFFFF8000  }
0x14: {  	[tilespmem:s3], [sflag:$0x2] =	stream.linear.gather [hbm4b:s5+s3], $0x100, $0x38;
	[tilespmem:$0x8100] =	vst v63  }
0x15: {  	_ =	swait.ge [sflag:s4], $0x100  }
0x16: {  	[sflag:s4] =	ssyncset.done $0x0  }
0x17: {  	[sflag:s4] =	ssyncadd.s32 $0xFFFFFF00  }
0x18: {  	[tilespmem:s6], [sflag:$0x1] =	stream.indirect.gather [hbm4b:s1+s6], $0x80, s3, s6, $0xb8;
	[tilespmem:$0x8100] =	vst v63  }
0x19: {  	_ =	swait.ge [sflag:s7], $0x8000  }
.Ltmp1:
0x1a: {  	[sflag:s7] =	ssyncset.done $0x0;
	(pc) =	sbr.rel @p0 .LBB2_1-.Ltmp1, $4  }
0x1b: {  	[sflag:s7] =	ssyncadd.s32 $0xFFFF8000  }
0x1c: {  	[hbm4b:s8+s3] =	stream.linear.scatter [tilespmem:s6], [sflag:$0x2], $0x8000, $0x38;
	[tilespmem:$0x8100] =	vst v63  }
0x1d: {  	_ =	swait.ge [sflag:s4], $0x8000  }
0x1e: {  	[sflag:s4] =	ssyncset.done $0x0  }
.LBB2_2:
0x1f: {  	[sflag:s4] =	ssyncadd.s32 $0xFFFF8000  }
0x20: {  	_ =	sfence.sel $0x180000  }
0x21: {  	[bflag:$0x0] =	sbarrier.arrive $0xFFFF  }
0x22: {  	p0 =	sne.s32 s0, $0x0;
	_ =	strace $0x90000047  }
0x23: {  	s0 =	sadd.s32 @!p0 $0x100000, s2;
	[bflag:$0x2] =	sbarrier.arrive $0xFFFF  }
0x24: {  	[sflag:s0] =	ssyncadd.tile.s32 @!p0 $0x1;
	_ =	shalt  }
.Lfunc_end2:
_tile_overlayer_lowered:
.L_overlay_start_2:
0x25: {  	(tag) =	ssettag $0x2  }
0x26: {  	s0 =	rddreg [dreg:$0x0];
	s2 =	stileid.u32  }
0x27: {  	s1 =	rddreg [dreg:$0x1];
	p0 =	sne.s32 s2, $0x0  }
0x28: {  	s3 =	rddreg [dreg:$0x2];
	[bflag:$0x3] =	sbarrier.arrive $0xFFFF;
	s2 =	simm.s32 @!p0 $0x1C02  }
0x29: {  	[timem:s3], [sflag:s2] =	dma.local @!p0 [hbm:s0], s1  }
0x2a: {  	s0 =	simm.s32 @!p0 $0x2  }
0x2b: {  	_ =	swait.ge @!p0 [sflag:s0], s1  }
0x2c: {  	s1 =	ssub.s32 @!p0 $0x0, s1;
	[sflag:s0] =	ssyncset.done @!p0 $0x0  }
0x2d: {  	[sflag:s0] =	ssyncadd.s32 @!p0 s1  }
0x2e: {  	[bflag:$0x3] =	sbarrier.arrive $0xFFFF  }
0x2f: {  	_ =	shalt  }

</sc_bundles>
